<compile_context>
chip_gen: v7x
topology: tpu7x:2x2x1
jax: 0.10.2.dev20260603
libtpu: 0.0.44.dev20260713+nightly
codegen_flags: <defaults>
</compile_context>

<pallas_src>
import functools

import jax
import jax.numpy as jnp
from jax.experimental import pallas as pl
from jax.experimental.pallas import tpu as pltpu

_TOPK = 20




def _qk_kernel(x_ref, wq_ref, bq_ref, wk_ref, bk_ref, q_ref, k_ref):
    xb = x_ref[...].astype(jnp.bfloat16)
    q_ref[...] = (jax.lax.dot_general(
        xb, wq_ref[...].astype(jnp.bfloat16), (((1,), (1,)), ((), ())),
        preferred_element_type=jnp.float32) + bq_ref[...]).astype(jnp.bfloat16)
    k_ref[...] = (jax.lax.dot_general(
        xb, wk_ref[...].astype(jnp.bfloat16), (((1,), (1,)), ((), ())),
        preferred_element_type=jnp.float32) + bk_ref[...]).astype(jnp.bfloat16)


def _attn_kernel(q_ref, k_ref, out_ref, s_ref, *, topk, inv_sqrt_d):
    attn = jax.lax.dot_general(
        q_ref[...], k_ref[...], (((1,), (1,)), ((), ())),
        preferred_element_type=jnp.float32) * inv_sqrt_d

    br, n = attn.shape
    neg_inf = jnp.float32(-jnp.inf)

    s_ref[...] = attn

    work = attn
    m1 = t = None
    for j in range(topk):
        t = jnp.max(work, axis=1, keepdims=True)
        if j == 0:
            m1 = t
        if j < topk - 1:
            work = jnp.where(work == t, neg_inf, work)

    attn = s_ref[...]
    m2 = jnp.maximum(m1, 0.0)
    e0 = jnp.exp(-m2)
    e = jnp.where(attn >= t, jnp.exp(attn - m2), e0)
    result = e * (1.0 / jnp.sum(e, axis=1, keepdims=True))

    out_ref[...] = result


def kernel(x, Wq, bq, Wk, bk):
    B, N, D = x.shape
    br = 512 if N % 512 == 0 else N

    bq2 = bq.reshape(1, D)
    bk2 = bk.reshape(1, D)
    bm = 512 if N % 512 == 0 else N

    q, k = pl.pallas_call(
        _qk_kernel,
        grid=(B, N // bm),
        in_specs=[
            pl.BlockSpec((None, bm, D), lambda b, i: (b, i, 0)),
            pl.BlockSpec((D, D), lambda b, i: (0, 0)),
            pl.BlockSpec((1, D), lambda b, i: (0, 0)),
            pl.BlockSpec((D, D), lambda b, i: (0, 0)),
            pl.BlockSpec((1, D), lambda b, i: (0, 0)),
        ],
        out_specs=(
            pl.BlockSpec((None, bm, D), lambda b, i: (b, i, 0)),
            pl.BlockSpec((None, bm, D), lambda b, i: (b, i, 0)),
        ),
        out_shape=(
            jax.ShapeDtypeStruct((B, N, D), jnp.bfloat16),
            jax.ShapeDtypeStruct((B, N, D), jnp.bfloat16),
        ),
    )(x, Wq, bq2, Wk, bk2)

    out = pl.pallas_call(
        functools.partial(_attn_kernel, topk=_TOPK,
                          inv_sqrt_d=float(1.0 / (D ** 0.5))),
        grid=(B, N // br),
        in_specs=[
            pl.BlockSpec((None, br, D), lambda b, r: (b, r, 0)),
            pl.BlockSpec((None, N, D), lambda b, r: (b, 0, 0)),
        ],
        out_specs=pl.BlockSpec((None, br, N), lambda b, r: (b, r, 0)),
        out_shape=jax.ShapeDtypeStruct((B, N, N), jnp.float32),
        scratch_shapes=[
            pltpu.VMEM((br, N), jnp.float32),
        ],
        compiler_params=pltpu.CompilerParams(
            dimension_semantics=("parallel", "parallel")),
    )(q, k)

    return out[..., None]

# --- scband reference (transcript-rebuilt; emitter-appended) ---
"""Pipeline reference for scband-embed2-graph-by-attention-53420803228027 (READ-ONLY COPY).

The authoritative reference and input builder live on the scoring server;
editing this copy changes nothing except your own understanding.
"""

import jax, jax.numpy as jnp
import numpy as np

B, N, D = 4, 2048, 1024
TOPK = 20


def setup_inputs(seed: int = 0) -> dict:
    key = jax.random.key(seed)
    k1, k2, k3 = jax.random.split(key, 3)
    x = jax.random.normal(k1, (B, N, D), dtype=jnp.float32)
    # nn.Linear weights: [out_features, in_features], y = x @ W.T + b
    bound = 1.0 / np.sqrt(D)
    Wq = jax.random.uniform(k2, (D, D), dtype=jnp.float32, minval=-bound, maxval=bound)
    bq = jnp.zeros((D,), dtype=jnp.float32)
    Wk = jax.random.uniform(k3, (D, D), dtype=jnp.float32, minval=-bound, maxval=bound)
    bk = jnp.zeros((D,), dtype=jnp.float32)
    return {"x": x, "Wq": Wq, "bq": bq, "Wk": Wk, "bk": bk}


def reference(x, Wq, bq, Wk, bk):
    Q = jnp.einsum('bnd,ed->bne', x, Wq) + bq
    K = jnp.einsum('bnd,ed->bne', x, Wk) + bk
    attn = jnp.einsum('bnd,bmd->bnm', Q, K) / (x.shape[-1] ** 0.5)
    topk_vals, topk_idx = jax.lax.top_k(attn, TOPK)
    b_idx = jnp.arange(B)[:, None, None]
    n_idx = jnp.arange(N)[None, :, None]
    mask = jnp.zeros_like(attn).at[b_idx, n_idx, topk_idx].set(1.0)
    sparse_attn = attn * mask
    sparse_attn = jax.nn.softmax(sparse_attn, axis=-1)
    return sparse_attn[..., None]

if __name__ == "__main__":
    import jax
    _d = setup_inputs()
    print(jax.jit(kernel)(*tuple(_d.values())))

</pallas_src>

<mosaic_0001>
module attributes {stable_mosaic.version = 14 : i64} {
  func.func @_qk_kernel(%arg0: i32, %arg1: i32, %arg2: memref<1x512x1024xf32, #tpu.memory_space<vmem>>, %arg3: memref<1024x1024xf32, #tpu.memory_space<vmem>>, %arg4: memref<1x1024xf32, #tpu.memory_space<vmem>>, %arg5: memref<1024x1024xf32, #tpu.memory_space<vmem>>, %arg6: memref<1x1024xf32, #tpu.memory_space<vmem>>, %arg7: memref<1x512x1024xbf16, #tpu.memory_space<vmem>>, %arg8: memref<1x512x1024xbf16, #tpu.memory_space<vmem>>) attributes {dimension_semantics = [#tpu.dimension_semantics<arbitrary>, #tpu.dimension_semantics<arbitrary>], iteration_bounds = array<i64: 4, 4>, scalar_prefetch = 0 : i64, scratch_operands = 0 : i64, tpu.core_type = #tpu.core_type<tc>, window_params = [{transform_indices = @transform_0, window_bounds = array<i64: 1, 512, 1024>}, {pipeline_mode = #tpu.pipeline_mode<synchronous>, transform_indices = @transform_1, window_bounds = array<i64: 1024, 1024>}, {pipeline_mode = #tpu.pipeline_mode<synchronous>, transform_indices = @transform_2, window_bounds = array<i64: 1, 1024>}, {pipeline_mode = #tpu.pipeline_mode<synchronous>, transform_indices = @transform_3, window_bounds = array<i64: 1024, 1024>}, {pipeline_mode = #tpu.pipeline_mode<synchronous>, transform_indices = @transform_4, window_bounds = array<i64: 1, 1024>}, {transform_indices = @transform_5, window_bounds = array<i64: 1, 512, 1024>}, {transform_indices = @transform_6, window_bounds = array<i64: 1, 512, 1024>}]} {
    %get3A = arith.constant 0 : index
    %get3A_0 = arith.constant 0 : index
    %get3A_1 = arith.constant 0 : index
    %get3A_2 = vector.load %arg2[%get3A, %get3A_0, %get3A_1] : memref<1x512x1024xf32, #tpu.memory_space<vmem>>, vector<1x512x1024xf32>
    %get3A_3 = vector.shape_cast %get3A_2 : vector<1x512x1024xf32> to vector<512x1024xf32>
    %convert_element_type3A = arith.truncf %get3A_3 : vector<512x1024xf32> to vector<512x1024xbf16>
    %get3A_4 = arith.constant 0 : index
    %get3A_5 = arith.constant 0 : index
    %get3A_6 = vector.load %arg3[%get3A_4, %get3A_5] : memref<1024x1024xf32, #tpu.memory_space<vmem>>, vector<1024x1024xf32>
    %convert_element_type3A_7 = arith.truncf %get3A_6 : vector<1024x1024xf32> to vector<1024x1024xbf16>
    %dot_general3A = arith.constant dense<0.000000e+00> : vector<512x1024xf32>
    %dot_general3A_8 = tpu.matmul %convert_element_type3A, %convert_element_type3A_7, %dot_general3A {dimension_numbers = #tpu.dot_dimension_numbers<[1], [1], [0], [0], [0, 0, 1, 0], [], []>, transpose_lhs_hint = false} : vector<512x1024xbf16>, vector<1024x1024xbf16>, vector<512x1024xf32> -> vector<512x1024xf32>
    %get3A_9 = arith.constant 0 : index
    %get3A_10 = arith.constant 0 : index
    %get3A_11 = vector.load %arg4[%get3A_9, %get3A_10] : memref<1x1024xf32, #tpu.memory_space<vmem>>, vector<1x1024xf32>
    %add3A = vector.broadcast %get3A_11 : vector<1x1024xf32> to vector<512x1024xf32>
    %add3A_12 = arith.addf %dot_general3A_8, %add3A : vector<512x1024xf32>
    %convert_element_type3A_13 = arith.truncf %add3A_12 : vector<512x1024xf32> to vector<512x1024xbf16>
    %swap3A = arith.constant 0 : index
    %swap3A_14 = arith.constant 0 : index
    %swap3A_15 = arith.constant 0 : index
    %swap3A_16 = vector.load %arg7[%swap3A, %swap3A_14, %swap3A_15] : memref<1x512x1024xbf16, #tpu.memory_space<vmem>>, vector<1x512x1024xbf16>
    %swap3A_17 = vector.shape_cast %swap3A_16 : vector<1x512x1024xbf16> to vector<512x1024xbf16>
    %swap3A_18 = vector.shape_cast %convert_element_type3A_13 : vector<512x1024xbf16> to vector<1x512x1024xbf16>
    tpu.vector_store %arg7[%swap3A, %swap3A_14, %swap3A_15], %swap3A_18 {strides = array<i32>} : memref<1x512x1024xbf16, #tpu.memory_space<vmem>>, vector<1x512x1024xbf16>,
    %get3A_19 = arith.constant 0 : index
    %get3A_20 = arith.constant 0 : index
    %get3A_21 = vector.load %arg5[%get3A_19, %get3A_20] : memref<1024x1024xf32, #tpu.memory_space<vmem>>, vector<1024x1024xf32>
    %convert_element_type3A_22 = arith.truncf %get3A_21 : vector<1024x1024xf32> to vector<1024x1024xbf16>
    %dot_general3A_23 = arith.constant dense<0.000000e+00> : vector<512x1024xf32>
    %dot_general3A_24 = tpu.matmul %convert_element_type3A, %convert_element_type3A_22, %dot_general3A_23 {dimension_numbers = #tpu.dot_dimension_numbers<[1], [1], [0], [0], [0, 0, 1, 0], [], []>, transpose_lhs_hint = false} : vector<512x1024xbf16>, vector<1024x1024xbf16>, vector<512x1024xf32> -> vector<512x1024xf32>
    %get3A_25 = arith.constant 0 : index
    %get3A_26 = arith.constant 0 : index
    %get3A_27 = vector.load %arg6[%get3A_25, %get3A_26] : memref<1x1024xf32, #tpu.memory_space<vmem>>, vector<1x1024xf32>
    %add3A_28 = vector.broadcast %get3A_27 : vector<1x1024xf32> to vector<512x1024xf32>
    %add3A_29 = arith.addf %dot_general3A_24, %add3A_28 : vector<512x1024xf32>
    %convert_element_type3A_30 = arith.truncf %add3A_29 : vector<512x1024xf32> to vector<512x1024xbf16>
    %swap3A_31 = arith.constant 0 : index
    %swap3A_32 = arith.constant 0 : index
    %swap3A_33 = arith.constant 0 : index
    %swap3A_34 = vector.load %arg8[%swap3A_31, %swap3A_32, %swap3A_33] : memref<1x512x1024xbf16, #tpu.memory_space<vmem>>, vector<1x512x1024xbf16>
    %swap3A_35 = vector.shape_cast %swap3A_34 : vector<1x512x1024xbf16> to vector<512x1024xbf16>
    %swap3A_36 = vector.shape_cast %convert_element_type3A_30 : vector<512x1024xbf16> to vector<1x512x1024xbf16>
    tpu.vector_store %arg8[%swap3A_31, %swap3A_32, %swap3A_33], %swap3A_36 {strides = array<i32>} : memref<1x512x1024xbf16, #tpu.memory_space<vmem>>, vector<1x512x1024xbf16>,
    return
  }
  func.func @transform_0(%arg0: i32, %arg1: i32) -> (i32, i32, i32) {
    %c0_i32 = arith.constant 0 : i32
    %c0_i32_0 = arith.constant 0 : i32
    return %arg0, %arg1, %c0_i32 : i32, i32, i32
  }
  func.func @transform_1(%arg0: i32, %arg1: i32) -> (i32, i32) {
    %c0_i32 = arith.constant 0 : i32
    %c0_i32_0 = arith.constant 0 : i32
    %c0_i32_1 = arith.constant 0 : i32
    return %c0_i32, %c0_i32_0 : i32, i32
  }
  func.func @transform_2(%arg0: i32, %arg1: i32) -> (i32, i32) {
    %c0_i32 = arith.constant 0 : i32
    %c0_i32_0 = arith.constant 0 : i32
    %c0_i32_1 = arith.constant 0 : i32
    return %c0_i32, %c0_i32_0 : i32, i32
  }
  func.func @transform_3(%arg0: i32, %arg1: i32) -> (i32, i32) {
    %c0_i32 = arith.constant 0 : i32
    %c0_i32_0 = arith.constant 0 : i32
    %c0_i32_1 = arith.constant 0 : i32
    return %c0_i32, %c0_i32_0 : i32, i32
  }
  func.func @transform_4(%arg0: i32, %arg1: i32) -> (i32, i32) {
    %c0_i32 = arith.constant 0 : i32
    %c0_i32_0 = arith.constant 0 : i32
    %c0_i32_1 = arith.constant 0 : i32
    return %c0_i32, %c0_i32_0 : i32, i32
  }
  func.func @transform_5(%arg0: i32, %arg1: i32) -> (i32, i32, i32) {
    %c0_i32 = arith.constant 0 : i32
    %c0_i32_0 = arith.constant 0 : i32
    return %arg0, %arg1, %c0_i32 : i32, i32, i32
  }
  func.func @transform_6(%arg0: i32, %arg1: i32) -> (i32, i32, i32) {
    %c0_i32 = arith.constant 0 : i32
    %c0_i32_0 = arith.constant 0 : i32
    return %arg0, %arg1, %c0_i32 : i32, i32, i32
  }
}

module attributes {stable_mosaic.version = 14 : i64} {
  func.func @_attn_kernel(%arg0: i32, %arg1: i32, %arg2: memref<1x512x1024xbf16, #tpu.memory_space<vmem>>, %arg3: memref<1x2048x1024xbf16, #tpu.memory_space<vmem>>, %arg4: memref<1x512x2048xf32, #tpu.memory_space<vmem>>, %arg5: memref<512x2048xf32, #tpu.memory_space<vmem>>) attributes {dimension_semantics = [#tpu.dimension_semantics<parallel>, #tpu.dimension_semantics<parallel>], iteration_bounds = array<i64: 4, 4>, scalar_prefetch = 0 : i64, scratch_operands = 1 : i64, tpu.core_type = #tpu.core_type<tc>, window_params = [{transform_indices = @transform_0, window_bounds = array<i64: 1, 512, 1024>}, {transform_indices = @transform_1, window_bounds = array<i64: 1, 2048, 1024>}, {transform_indices = @transform_2, window_bounds = array<i64: 1, 512, 2048>}]} {
    %get3A = arith.constant 0 : index
    %get3A_0 = arith.constant 0 : index
    %get3A_1 = arith.constant 0 : index
    %get3A_2 = vector.load %arg2[%get3A, %get3A_0, %get3A_1] : memref<1x512x1024xbf16, #tpu.memory_space<vmem>>, vector<1x512x1024xbf16>
    %get3A_3 = vector.shape_cast %get3A_2 : vector<1x512x1024xbf16> to vector<512x1024xbf16>
    %get3A_4 = arith.constant 0 : index
    %get3A_5 = arith.constant 0 : index
    %get3A_6 = arith.constant 0 : index
    %get3A_7 = vector.load %arg3[%get3A_4, %get3A_5, %get3A_6] : memref<1x2048x1024xbf16, #tpu.memory_space<vmem>>, vector<1x2048x1024xbf16>
    %get3A_8 = vector.shape_cast %get3A_7 : vector<1x2048x1024xbf16> to vector<2048x1024xbf16>
    %dot_general3A = arith.constant dense<0.000000e+00> : vector<512x2048xf32>
    %dot_general3A_9 = tpu.matmul %get3A_3, %get3A_8, %dot_general3A {dimension_numbers = #tpu.dot_dimension_numbers<[1], [1], [0], [0], [0, 0, 1, 0], [], []>, transpose_lhs_hint = false} : vector<512x1024xbf16>, vector<2048x1024xbf16>, vector<512x2048xf32> -> vector<512x2048xf32>
    %mul3A = arith.constant 3.125000e-02 : f32
    %mul3A_10 = vector.broadcast %mul3A : f32 to vector<512x2048xf32>
    %mul3A_11 = arith.mulf %dot_general3A_9, %mul3A_10 : vector<512x2048xf32>
    %swap3A = arith.constant 0 : index
    %swap3A_12 = arith.constant 0 : index
    %swap3A_13 = vector.load %arg5[%swap3A, %swap3A_12] : memref<512x2048xf32, #tpu.memory_space<vmem>>, vector<512x2048xf32>
    tpu.vector_store %arg5[%swap3A, %swap3A_12], %mul3A_11 {strides = array<i32>} : memref<512x2048xf32, #tpu.memory_space<vmem>>, vector<512x2048xf32>,
    %reduce_max3A = arith.constant dense<0xFF800000> : vector<512xf32>
    %reduce_max3A_14 = vector.multi_reduction <maximumf>, %mul3A_11, %reduce_max3A [1] : vector<512x2048xf32> to vector<512xf32>
    %broadcast_in_dim3A = vector.shape_cast %reduce_max3A_14 : vector<512xf32> to vector<512x1xf32>
    %eq3A = vector.broadcast %broadcast_in_dim3A : vector<512x1xf32> to vector<512x2048xf32>
    %eq3A_15 = arith.cmpf oeq, %mul3A_11, %eq3A : vector<512x2048xf32>
    %jit3A = arith.constant 0xFF800000 : f32
    %broadcast_in_dim3A_16 = vector.broadcast %jit3A : f32 to vector<512x2048xf32>
    %select_n3A = arith.select %eq3A_15, %broadcast_in_dim3A_16, %mul3A_11 : vector<512x2048xi1>, vector<512x2048xf32>
    %reduce_max3A_17 = arith.constant dense<0xFF800000> : vector<512xf32>
    %reduce_max3A_18 = vector.multi_reduction <maximumf>, %select_n3A, %reduce_max3A_17 [1] : vector<512x2048xf32> to vector<512xf32>
    %broadcast_in_dim3A_19 = vector.shape_cast %reduce_max3A_18 : vector<512xf32> to vector<512x1xf32>
    %eq3A_20 = vector.broadcast %broadcast_in_dim3A_19 : vector<512x1xf32> to vector<512x2048xf32>
    %eq3A_21 = arith.cmpf oeq, %select_n3A, %eq3A_20 : vector<512x2048xf32>
    %jit3A_22 = arith.constant 0xFF800000 : f32
    %broadcast_in_dim3A_23 = vector.broadcast %jit3A_22 : f32 to vector<512x2048xf32>
    %select_n3A_24 = arith.select %eq3A_21, %broadcast_in_dim3A_23, %select_n3A : vector<512x2048xi1>, vector<512x2048xf32>
    %reduce_max3A_25 = arith.constant dense<0xFF800000> : vector<512xf32>
    %reduce_max3A_26 = vector.multi_reduction <maximumf>, %select_n3A_24, %reduce_max3A_25 [1] : vector<512x2048xf32> to vector<512xf32>
    %broadcast_in_dim3A_27 = vector.shape_cast %reduce_max3A_26 : vector<512xf32> to vector<512x1xf32>
    %eq3A_28 = vector.broadcast %broadcast_in_dim3A_27 : vector<512x1xf32> to vector<512x2048xf32>
    %eq3A_29 = arith.cmpf oeq, %select_n3A_24, %eq3A_28 : vector<512x2048xf32>
    %jit3A_30 = arith.constant 0xFF800000 : f32
    %broadcast_in_dim3A_31 = vector.broadcast %jit3A_30 : f32 to vector<512x2048xf32>
    %select_n3A_32 = arith.select %eq3A_29, %broadcast_in_dim3A_31, %select_n3A_24 : vector<512x2048xi1>, vector<512x2048xf32>
    %reduce_max3A_33 = arith.constant dense<0xFF800000> : vector<512xf32>
    %reduce_max3A_34 = vector.multi_reduction <maximumf>, %select_n3A_32, %reduce_max3A_33 [1] : vector<512x2048xf32> to vector<512xf32>
    %broadcast_in_dim3A_35 = vector.shape_cast %reduce_max3A_34 : vector<512xf32> to vector<512x1xf32>
    %eq3A_36 = vector.broadcast %broadcast_in_dim3A_35 : vector<512x1xf32> to vector<512x2048xf32>
    %eq3A_37 = arith.cmpf oeq, %select_n3A_32, %eq3A_36 : vector<512x2048xf32>
    %jit3A_38 = arith.constant 0xFF800000 : f32
    %broadcast_in_dim3A_39 = vector.broadcast %jit3A_38 : f32 to vector<512x2048xf32>
    %select_n3A_40 = arith.select %eq3A_37, %broadcast_in_dim3A_39, %select_n3A_32 : vector<512x2048xi1>, vector<512x2048xf32>
    %reduce_max3A_41 = arith.constant dense<0xFF800000> : vector<512xf32>
    %reduce_max3A_42 = vector.multi_reduction <maximumf>, %select_n3A_40, %reduce_max3A_41 [1] : vector<512x2048xf32> to vector<512xf32>
    %broadcast_in_dim3A_43 = vector.shape_cast %reduce_max3A_42 : vector<512xf32> to vector<512x1xf32>
    %eq3A_44 = vector.broadcast %broadcast_in_dim3A_43 : vector<512x1xf32> to vector<512x2048xf32>
    %eq3A_45 = arith.cmpf oeq, %select_n3A_40, %eq3A_44 : vector<512x2048xf32>
    %jit3A_46 = arith.constant 0xFF800000 : f32
    %broadcast_in_dim3A_47 = vector.broadcast %jit3A_46 : f32 to vector<512x2048xf32>
    %select_n3A_48 = arith.select %eq3A_45, %broadcast_in_dim3A_47, %select_n3A_40 : vector<512x2048xi1>, vector<512x2048xf32>
    %reduce_max3A_49 = arith.constant dense<0xFF800000> : vector<512xf32>
    %reduce_max3A_50 = vector.multi_reduction <maximumf>, %select_n3A_48, %reduce_max3A_49 [1] : vector<512x2048xf32> to vector<512xf32>
    %broadcast_in_dim3A_51 = vector.shape_cast %reduce_max3A_50 : vector<512xf32> to vector<512x1xf32>
    %eq3A_52 = vector.broadcast %broadcast_in_dim3A_51 : vector<512x1xf32> to vector<512x2048xf32>
    %eq3A_53 = arith.cmpf oeq, %select_n3A_48, %eq3A_52 : vector<512x2048xf32>
    %jit3A_54 = arith.constant 0xFF800000 : f32
    %broadcast_in_dim3A_55 = vector.broadcast %jit3A_54 : f32 to vector<512x2048xf32>
    %select_n3A_56 = arith.select %eq3A_53, %broadcast_in_dim3A_55, %select_n3A_48 : vector<512x2048xi1>, vector<512x2048xf32>
    %reduce_max3A_57 = arith.constant dense<0xFF800000> : vector<512xf32>
    %reduce_max3A_58 = vector.multi_reduction <maximumf>, %select_n3A_56, %reduce_max3A_57 [1] : vector<512x2048xf32> to vector<512xf32>
    %broadcast_in_dim3A_59 = vector.shape_cast %reduce_max3A_58 : vector<512xf32> to vector<512x1xf32>
    %eq3A_60 = vector.broadcast %broadcast_in_dim3A_59 : vector<512x1xf32> to vector<512x2048xf32>
    %eq3A_61 = arith.cmpf oeq, %select_n3A_56, %eq3A_60 : vector<512x2048xf32>
    %jit3A_62 = arith.constant 0xFF800000 : f32
    %broadcast_in_dim3A_63 = vector.broadcast %jit3A_62 : f32 to vector<512x2048xf32>
    %select_n3A_64 = arith.select %eq3A_61, %broadcast_in_dim3A_63, %select_n3A_56 : vector<512x2048xi1>, vector<512x2048xf32>
    %reduce_max3A_65 = arith.constant dense<0xFF800000> : vector<512xf32>
    %reduce_max3A_66 = vector.multi_reduction <maximumf>, %select_n3A_64, %reduce_max3A_65 [1] : vector<512x2048xf32> to vector<512xf32>
    %broadcast_in_dim3A_67 = vector.shape_cast %reduce_max3A_66 : vector<512xf32> to vector<512x1xf32>
    %eq3A_68 = vector.broadcast %broadcast_in_dim3A_67 : vector<512x1xf32> to vector<512x2048xf32>
    %eq3A_69 = arith.cmpf oeq, %select_n3A_64, %eq3A_68 : vector<512x2048xf32>
    %jit3A_70 = arith.constant 0xFF800000 : f32
    %broadcast_in_dim3A_71 = vector.broadcast %jit3A_70 : f32 to vector<512x2048xf32>
    %select_n3A_72 = arith.select %eq3A_69, %broadcast_in_dim3A_71, %select_n3A_64 : vector<512x2048xi1>, vector<512x2048xf32>
    %reduce_max3A_73 = arith.constant dense<0xFF800000> : vector<512xf32>
    %reduce_max3A_74 = vector.multi_reduction <maximumf>, %select_n3A_72, %reduce_max3A_73 [1] : vector<512x2048xf32> to vector<512xf32>
    %broadcast_in_dim3A_75 = vector.shape_cast %reduce_max3A_74 : vector<512xf32> to vector<512x1xf32>
    %eq3A_76 = vector.broadcast %broadcast_in_dim3A_75 : vector<512x1xf32> to vector<512x2048xf32>
    %eq3A_77 = arith.cmpf oeq, %select_n3A_72, %eq3A_76 : vector<512x2048xf32>
    %jit3A_78 = arith.constant 0xFF800000 : f32
    %broadcast_in_dim3A_79 = vector.broadcast %jit3A_78 : f32 to vector<512x2048xf32>
    %select_n3A_80 = arith.select %eq3A_77, %broadcast_in_dim3A_79, %select_n3A_72 : vector<512x2048xi1>, vector<512x2048xf32>
    %reduce_max3A_81 = arith.constant dense<0xFF800000> : vector<512xf32>
    %reduce_max3A_82 = vector.multi_reduction <maximumf>, %select_n3A_80, %reduce_max3A_81 [1] : vector<512x2048xf32> to vector<512xf32>
    %broadcast_in_dim3A_83 = vector.shape_cast %reduce_max3A_82 : vector<512xf32> to vector<512x1xf32>
    %eq3A_84 = vector.broadcast %broadcast_in_dim3A_83 : vector<512x1xf32> to vector<512x2048xf32>
    %eq3A_85 = arith.cmpf oeq, %select_n3A_80, %eq3A_84 : vector<512x2048xf32>
    %jit3A_86 = arith.constant 0xFF800000 : f32
    %broadcast_in_dim3A_87 = vector.broadcast %jit3A_86 : f32 to vector<512x2048xf32>
    %select_n3A_88 = arith.select %eq3A_85, %broadcast_in_dim3A_87, %select_n3A_80 : vector<512x2048xi1>, vector<512x2048xf32>
    %reduce_max3A_89 = arith.constant dense<0xFF800000> : vector<512xf32>
    %reduce_max3A_90 = vector.multi_reduction <maximumf>, %select_n3A_88, %reduce_max3A_89 [1] : vector<512x2048xf32> to vector<512xf32>
    %broadcast_in_dim3A_91 = vector.shape_cast %reduce_max3A_90 : vector<512xf32> to vector<512x1xf32>
    %eq3A_92 = vector.broadcast %broadcast_in_dim3A_91 : vector<512x1xf32> to vector<512x2048xf32>
    %eq3A_93 = arith.cmpf oeq, %select_n3A_88, %eq3A_92 : vector<512x2048xf32>
    %jit3A_94 = arith.constant 0xFF800000 : f32
    %broadcast_in_dim3A_95 = vector.broadcast %jit3A_94 : f32 to vector<512x2048xf32>
    %select_n3A_96 = arith.select %eq3A_93, %broadcast_in_dim3A_95, %select_n3A_88 : vector<512x2048xi1>, vector<512x2048xf32>
    %reduce_max3A_97 = arith.constant dense<0xFF800000> : vector<512xf32>
    %reduce_max3A_98 = vector.multi_reduction <maximumf>, %select_n3A_96, %reduce_max3A_97 [1] : vector<512x2048xf32> to vector<512xf32>
    %broadcast_in_dim3A_99 = vector.shape_cast %reduce_max3A_98 : vector<512xf32> to vector<512x1xf32>
    %eq3A_100 = vector.broadcast %broadcast_in_dim3A_99 : vector<512x1xf32> to vector<512x2048xf32>
    %eq3A_101 = arith.cmpf oeq, %select_n3A_96, %eq3A_100 : vector<512x2048xf32>
    %jit3A_102 = arith.constant 0xFF800000 : f32
    %broadcast_in_dim3A_103 = vector.broadcast %jit3A_102 : f32 to vector<512x2048xf32>
    %select_n3A_104 = arith.select %eq3A_101, %broadcast_in_dim3A_103, %select_n3A_96 : vector<512x2048xi1>, vector<512x2048xf32>
    %reduce_max3A_105 = arith.constant dense<0xFF800000> : vector<512xf32>
    %reduce_max3A_106 = vector.multi_reduction <maximumf>, %select_n3A_104, %reduce_max3A_105 [1] : vector<512x2048xf32> to vector<512xf32>
    %broadcast_in_dim3A_107 = vector.shape_cast %reduce_max3A_106 : vector<512xf32> to vector<512x1xf32>
    %eq3A_108 = vector.broadcast %broadcast_in_dim3A_107 : vector<512x1xf32> to vector<512x2048xf32>
    %eq3A_109 = arith.cmpf oeq, %select_n3A_104, %eq3A_108 : vector<512x2048xf32>
    %jit3A_110 = arith.constant 0xFF800000 : f32
    %broadcast_in_dim3A_111 = vector.broadcast %jit3A_110 : f32 to vector<512x2048xf32>
    %select_n3A_112 = arith.select %eq3A_109, %broadcast_in_dim3A_111, %select_n3A_104 : vector<512x2048xi1>, vector<512x2048xf32>
    %reduce_max3A_113 = arith.constant dense<0xFF800000> : vector<512xf32>
    %reduce_max3A_114 = vector.multi_reduction <maximumf>, %select_n3A_112, %reduce_max3A_113 [1] : vector<512x2048xf32> to vector<512xf32>
    %broadcast_in_dim3A_115 = vector.shape_cast %reduce_max3A_114 : vector<512xf32> to vector<512x1xf32>
    %eq3A_116 = vector.broadcast %broadcast_in_dim3A_115 : vector<512x1xf32> to vector<512x2048xf32>
    %eq3A_117 = arith.cmpf oeq, %select_n3A_112, %eq3A_116 : vector<512x2048xf32>
    %jit3A_118 = arith.constant 0xFF800000 : f32
    %broadcast_in_dim3A_119 = vector.broadcast %jit3A_118 : f32 to vector<512x2048xf32>
    %select_n3A_120 = arith.select %eq3A_117, %broadcast_in_dim3A_119, %select_n3A_112 : vector<512x2048xi1>, vector<512x2048xf32>
    %reduce_max3A_121 = arith.constant dense<0xFF800000> : vector<512xf32>
    %reduce_max3A_122 = vector.multi_reduction <maximumf>, %select_n3A_120, %reduce_max3A_121 [1] : vector<512x2048xf32> to vector<512xf32>
    %broadcast_in_dim3A_123 = vector.shape_cast %reduce_max3A_122 : vector<512xf32> to vector<512x1xf32>
    %eq3A_124 = vector.broadcast %broadcast_in_dim3A_123 : vector<512x1xf32> to vector<512x2048xf32>
    %eq3A_125 = arith.cmpf oeq, %select_n3A_120, %eq3A_124 : vector<512x2048xf32>
    %jit3A_126 = arith.constant 0xFF800000 : f32
    %broadcast_in_dim3A_127 = vector.broadcast %jit3A_126 : f32 to vector<512x2048xf32>
    %select_n3A_128 = arith.select %eq3A_125, %broadcast_in_dim3A_127, %select_n3A_120 : vector<512x2048xi1>, vector<512x2048xf32>
    %reduce_max3A_129 = arith.constant dense<0xFF800000> : vector<512xf32>
    %reduce_max3A_130 = vector.multi_reduction <maximumf>, %select_n3A_128, %reduce_max3A_129 [1] : vector<512x2048xf32> to vector<512xf32>
    %broadcast_in_dim3A_131 = vector.shape_cast %reduce_max3A_130 : vector<512xf32> to vector<512x1xf32>
    %eq3A_132 = vector.broadcast %broadcast_in_dim3A_131 : vector<512x1xf32> to vector<512x2048xf32>
    %eq3A_133 = arith.cmpf oeq, %select_n3A_128, %eq3A_132 : vector<512x2048xf32>
    %jit3A_134 = arith.constant 0xFF800000 : f32
    %broadcast_in_dim3A_135 = vector.broadcast %jit3A_134 : f32 to vector<512x2048xf32>
    %select_n3A_136 = arith.select %eq3A_133, %broadcast_in_dim3A_135, %select_n3A_128 : vector<512x2048xi1>, vector<512x2048xf32>
    %reduce_max3A_137 = arith.constant dense<0xFF800000> : vector<512xf32>
    %reduce_max3A_138 = vector.multi_reduction <maximumf>, %select_n3A_136, %reduce_max3A_137 [1] : vector<512x2048xf32> to vector<512xf32>
    %broadcast_in_dim3A_139 = vector.shape_cast %reduce_max3A_138 : vector<512xf32> to vector<512x1xf32>
    %eq3A_140 = vector.broadcast %broadcast_in_dim3A_139 : vector<512x1xf32> to vector<512x2048xf32>
    %eq3A_141 = arith.cmpf oeq, %select_n3A_136, %eq3A_140 : vector<512x2048xf32>
    %jit3A_142 = arith.constant 0xFF800000 : f32
    %broadcast_in_dim3A_143 = vector.broadcast %jit3A_142 : f32 to vector<512x2048xf32>
    %select_n3A_144 = arith.select %eq3A_141, %broadcast_in_dim3A_143, %select_n3A_136 : vector<512x2048xi1>, vector<512x2048xf32>
    %reduce_max3A_145 = arith.constant dense<0xFF800000> : vector<512xf32>
    %reduce_max3A_146 = vector.multi_reduction <maximumf>, %select_n3A_144, %reduce_max3A_145 [1] : vector<512x2048xf32> to vector<512xf32>
    %broadcast_in_dim3A_147 = vector.shape_cast %reduce_max3A_146 : vector<512xf32> to vector<512x1xf32>
    %eq3A_148 = vector.broadcast %broadcast_in_dim3A_147 : vector<512x1xf32> to vector<512x2048xf32>
    %eq3A_149 = arith.cmpf oeq, %select_n3A_144, %eq3A_148 : vector<512x2048xf32>
    %jit3A_150 = arith.constant 0xFF800000 : f32
    %broadcast_in_dim3A_151 = vector.broadcast %jit3A_150 : f32 to vector<512x2048xf32>
    %select_n3A_152 = arith.select %eq3A_149, %broadcast_in_dim3A_151, %select_n3A_144 : vector<512x2048xi1>, vector<512x2048xf32>
    %reduce_max3A_153 = arith.constant dense<0xFF800000> : vector<512xf32>
    %reduce_max3A_154 = vector.multi_reduction <maximumf>, %select_n3A_152, %reduce_max3A_153 [1] : vector<512x2048xf32> to vector<512xf32>
    %broadcast_in_dim3A_155 = vector.shape_cast %reduce_max3A_154 : vector<512xf32> to vector<512x1xf32>
    %eq3A_156 = vector.broadcast %broadcast_in_dim3A_155 : vector<512x1xf32> to vector<512x2048xf32>
    %eq3A_157 = arith.cmpf oeq, %select_n3A_152, %eq3A_156 : vector<512x2048xf32>
    %jit3A_158 = arith.constant 0xFF800000 : f32
    %broadcast_in_dim3A_159 = vector.broadcast %jit3A_158 : f32 to vector<512x2048xf32>
    %select_n3A_160 = arith.select %eq3A_157, %broadcast_in_dim3A_159, %select_n3A_152 : vector<512x2048xi1>, vector<512x2048xf32>
    %reduce_max3A_161 = arith.constant dense<0xFF800000> : vector<512xf32>
    %reduce_max3A_162 = vector.multi_reduction <maximumf>, %select_n3A_160, %reduce_max3A_161 [1] : vector<512x2048xf32> to vector<512xf32>
    %broadcast_in_dim3A_163 = vector.shape_cast %reduce_max3A_162 : vector<512xf32> to vector<512x1xf32>
    %get3A_164 = arith.constant 0 : index
    %get3A_165 = arith.constant 0 : index
    %get3A_166 = vector.load %arg5[%get3A_164, %get3A_165] : memref<512x2048xf32, #tpu.memory_space<vmem>>, vector<512x2048xf32>
    %max3A = arith.constant 0.000000e+00 : f32
    %max3A_167 = vector.broadcast %max3A : f32 to vector<512x1xf32>
    %max3A_168 = arith.maximumf %broadcast_in_dim3A, %max3A_167 : vector<512x1xf32>
    %neg3A = arith.constant 0.000000e+00 : f32
    %neg3A_169 = vector.broadcast %neg3A : f32 to vector<512x1xf32>
    %neg3A_170 = arith.subf %neg3A_169, %max3A_168 : vector<512x1xf32>
    %exp3A = math.exp %neg3A_170 : vector<512x1xf32>
    %ge3A = vector.broadcast %broadcast_in_dim3A_163 : vector<512x1xf32> to vector<512x2048xf32>
    %ge3A_171 = arith.cmpf oge, %get3A_166, %ge3A : vector<512x2048xf32>
    %sub3A = vector.broadcast %max3A_168 : vector<512x1xf32> to vector<512x2048xf32>
    %sub3A_172 = arith.subf %get3A_166, %sub3A : vector<512x2048xf32>
    %exp3A_173 = math.exp %sub3A_172 : vector<512x2048xf32>
    %broadcast_in_dim3A_174 = vector.shape_cast %exp3A : vector<512x1xf32> to vector<512x1xf32>
    %broadcast_in_dim3A_175 = vector.broadcast %broadcast_in_dim3A_174 : vector<512x1xf32> to vector<512x2048xf32>
    %select_n3A_176 = arith.select %ge3A_171, %exp3A_173, %broadcast_in_dim3A_175 : vector<512x2048xi1>, vector<512x2048xf32>
    %reduce_sum3A = arith.constant dense<0.000000e+00> : vector<512xf32>
    %reduce_sum3A_177 = vector.multi_reduction <add>, %select_n3A_176, %reduce_sum3A [1] : vector<512x2048xf32> to vector<512xf32>
    %broadcast_in_dim3A_178 = vector.shape_cast %reduce_sum3A_177 : vector<512xf32> to vector<512x1xf32>
    %div3A = arith.constant 1.000000e+00 : f32
    %div3A_179 = vector.broadcast %div3A : f32 to vector<512x1xf32>
    %div3A_180 = arith.divf %div3A_179, %broadcast_in_dim3A_178 : vector<512x1xf32>
    %mul3A_181 = vector.broadcast %div3A_180 : vector<512x1xf32> to vector<512x2048xf32>
    %mul3A_182 = arith.mulf %select_n3A_176, %mul3A_181 : vector<512x2048xf32>
    %swap3A_183 = arith.constant 0 : index
    %swap3A_184 = arith.constant 0 : index
    %swap3A_185 = arith.constant 0 : index
    %swap3A_186 = vector.load %arg4[%swap3A_183, %swap3A_184, %swap3A_185] : memref<1x512x2048xf32, #tpu.memory_space<vmem>>, vector<1x512x2048xf32>
    %swap3A_187 = vector.shape_cast %swap3A_186 : vector<1x512x2048xf32> to vector<512x2048xf32>
    %swap3A_188 = vector.shape_cast %mul3A_182 : vector<512x2048xf32> to vector<1x512x2048xf32>
    tpu.vector_store %arg4[%swap3A_183, %swap3A_184, %swap3A_185], %swap3A_188 {strides = array<i32>} : memref<1x512x2048xf32, #tpu.memory_space<vmem>>, vector<1x512x2048xf32>,
    return
  }
  func.func @transform_0(%arg0: i32, %arg1: i32) -> (i32, i32, i32) {
    %c0_i32 = arith.constant 0 : i32
    %c0_i32_0 = arith.constant 0 : i32
    return %arg0, %arg1, %c0_i32 : i32, i32, i32
  }
  func.func @transform_1(%arg0: i32, %arg1: i32) -> (i32, i32, i32) {
    %c0_i32 = arith.constant 0 : i32
    %c0_i32_0 = arith.constant 0 : i32
    %c0_i32_1 = arith.constant 0 : i32
    return %arg0, %c0_i32, %c0_i32_0 : i32, i32, i32
  }
  func.func @transform_2(%arg0: i32, %arg1: i32) -> (i32, i32, i32) {
    %c0_i32 = arith.constant 0 : i32
    %c0_i32_0 = arith.constant 0 : i32
    return %arg0, %arg1, %c0_i32 : i32, i32, i32
  }
}

</mosaic_0001>

<sc_bundles>
// kernel: sparse-core-data-format-call.cloned.1.call-start
scs
called_computation_lowered:
.L_overlay_start_0:
0x0: {  	s2 =	sld [smem:$0x3FD9]  }
0x1: {  	s3 =	sld [smem:$0x3FFE];
	_ =	sdelay $0x1  }
0x2: {  	s1 =	srdreg.scid  }
0x3: {  	s0 =	sand.u32 $0x1, s1  }
0x4: {  	s18 =	sshll.u32 s0, $0xA;
	s2 =	sadd.s32 s3, s2  }
0x5: {  	s2 =	sadd.s32 s2, s18  }
0x6: {  	[smem:$0x3FC3] =	sst s2  }
0x7: {  	_ = 	snop  }
0x8: {  	s2 =	sld [smem:$0x3FD0];
	(tm) =	ssettm $0x1  }
0x9: {  	s19 =	sld [smem:$0x3FFB];
	_ =	sdelay $0x3  }
0xa: {  	_ =	strace s19  }
0xb: {  	s3 =	sld [smem:$0x3FFC];
	_ =	sdelay $0x3  }
0xc: {  	_ =	strace s3  }
0xd: {  	s3 =	sld [smem:$0x3FFD];
	_ =	sdelay $0x3  }
0xe: {  	_ =	strace s3  }
0xf: {  	_ =	strace $0x8FFFFFFF  }
0x10: {  	s20 =	sld [smem:$0x3FDB];
	_ =	sdelay $0x1  }
0x11: {  	s4 =	simm.s32 $_scs_section_size  }
0x12: {  	s5 =	simm.s32 $_size__tile_overlayer_lowered;
	s6 =	simm.s32 $_tile_overlayer_lowered  }
0x13: {  	s23 =	simm.s32 $0x1BFF;
	s22 =	sshll.u32 s6, $0x1;
	s3 =	sadd.s32 s4, s20  }
0x14: {  	s7 =	simm.s32 $0x0;
	s21 =	sshll.u32 s5, $0x1;
	s5 =	sadd.s32 s22, s3  }
0x15: {  	[timem:s7], [sflag:s23] =	dma.local [hbm:s5], s21  }
0x16: {  	_ =	swait.ge [sflag:s23], s21  }
0x17: {  	s4 =	ssub.s32 $0x0, s21;
	[sflag:s23] =	ssyncset.done $0x0  }
0x18: {  	[sflag:s23] =	ssyncadd.s32 s4;
	_ =	sdelay $0x1  }
0x19: {  	s24 =	simm.s32 $0x1B8B  }
0x1a: {  	_ =	swait.ge [sflag:s24], $0x1  }
0x1b: {  	[sflag:s24] =	ssyncset.done $0x0  }
0x1c: {  	s26 =	simm.s32 $0x1B8E;
	s25 =	sld [smem:$0x3FFE];
	[sflag:s24] =	ssyncadd.s32 $0xFFFFFFFF  }
0x1d: {  	s27 =	simm.s32 $execute0_lowered;
	[smem:$0x3FD2] =	sst s26  }
0x1e: {  	s5 =	sshll.u32 s27, $0x1;
	_ =	strace $0x80000046;
	[dreg:$0x1] =	wrdreg $0xFFFFFFFF  }
0x1f: {  	s28 =	simm.s32 $_size_execute0_lowered;
	s3 =	sadd.s32 s3, s5;
	[dreg:$0x0] =	wrdreg $0x0  }
0x20: {  	s5 =	sshll.u32 s28, $0x1;
	[dreg:$0x2] =	wrdreg s3  }
0x21: {  	[dreg:$0x3] =	wrdreg s5  }
0x22: {  	[dreg:$0x4] =	wrdreg $0xC0  }
0x23: {  	_ =	task [dreg:s7], $0x5FFFF  }
0x24: {  	[dreg:$0x1] =	wrdreg $0xFFFFFFFF  }
0x25: {  	[dreg:$0x0] =	wrdreg $0x60  }
0x26: {  	[dreg:$0x2] =	wrdreg s25  }
0x27: {  	[dreg:$0x3] =	wrdreg s2  }
0x28: {  	[dreg:$0x4] =	wrdreg $0x9  }
0x29: {  	_ =	task.clear_ibuf [dreg:s7], $0x5FFFF;
	_ =	strace $0x90000046  }
0x2a: {  	s29 =	simm.s32 $0x9;
	_ =	strace $0x80000048  }
0x2b: {  	_ =	swait.ge [sflag:s29], $0x1  }
0x2c: {  	[sflag:s29] =	ssyncadd.s32 $0xFFFFFFFF  }
0x2d: {  	_ =	strace $0x90000048  }
0x2e: {  	_ =	sfence  }
0x2f: {  	s30 =	sld [smem:$0x0];
	_ =	sdelay $0x2  }
0x30: {  	s31 =	sshll.u32 s1, $0xD;
	s1 =	sshrl.u32 s1, $0x2  }
0x31: {  	s3 =	sand.u32 $0x4000, s31;
	s1 =	sadd.s32 s1, s30  }
0x32: {  	s0 =	sor.u32 s3, s0;
	s1 =	sshll.u32 s1, $0x11  }
0x33: {  	s0 =	sor.u32 s1, s0  }
0x34: {  	s0 =	sadd.s32 $0x8F2B, s0  }
0x35: {  	[sflag:s0] =	ssyncadd.remote.s32 $0x1  }
0x36: {  	_ =	sfence.sel $0xFFFF  }
0x37: {  	[dreg:$0x0] =	wrdreg $0xFFFFFFFF;
	(pc) =	sbr.abs _section_cstart, $3  }
0x38: {  	[dreg:$0x1] =	wrdreg $0xFFFFFFFF  }
0x39: {  	_ =	task.clear_ibuf [dreg:s7], $0x2FFFF;
	_ =	strace $0x9FFFFFFF  }
0x3a: {  	(tm) =	ssettm $0x7FFFFFFF  }
0x3b: {  	_ =	shalt  }
tec
execute0_lowered:
.L_overlay_start_1:
0x0: {  	(tag) =	ssettag $0x1  }
0x1: {  	s0 =	stileid.u32;
	s4 =	rddreg [dreg:$0x0]  }
0x2: {  	s1 =	srdreg.scid;
	s2 =	rddreg [dreg:$0x1];
	s5 =	simm.s32 $0x1  }
0x3: {  	s8 =	simm.s32 $0x2;
	s3 =	sshll.u32 s0, $0x1;
	s1 =	sshll.u32 s1, $0x5  }
0x4: {  	s10 =	simm.s32 $0x0;
	s14 =	simm.s32 $0x0;
	s3 =	sor.u32 s3, s1  }
0x5: {  	s15 =	simm.s32 $0x0;
	s13 =	simm.s32 $0x0;
	s3 =	sand.u32 $0x38, s3  }
0x6: {  	s4 =	sadd.s32 $0x81000, s4;
	s1 =	rddreg [dreg:$0x2];
	s6 =	ssub.s32 $0x800, s3  }
.Ltmp0:
0x7: {  	_ =	strace $0x80000047;
	s7 =	sand.u32 $0x38, s6;
	(pc) =	sbr.rel .LBB1_1-.Ltmp0, $4  }
0x8: {  	[sflag:s5] =	ssyncpa.u1 $0x0;
	p0 =	sne.s32 s7, $0x0;
	s7 =	simm.s32 $0x1  }
0x9: {  	[sflag:s8] =	ssyncpa.u1 $0x0;
	s9 =	sshrl.u32 s6, $0x6;
	s7 =	simm.s32 @!p0 $0x0  }
0xa: {  	s11 =	smov.u32 s3;
	s6 =	sand.u32 $0x3, s0;
	s7 =	sadd.s32 s7, s9  }
0xb: {  	s12 =	smov.u32 s6;
	s9 =	simm.s32 $0x0;
	s8 =	sadd.s32 $0x1, s7  }
.LBB1_7:
0xc: {  	s16 =	sadd.s32 $0x40, s11  }
0xd: {  	s14 =	sadd.s32 $0x4, s12;
	s18 =	smov.u32 s12;
	p1 =	sgt.s32 s16, $0x7FF  }
0xe: {  	s18 =	smov.u32 @p1 s14  }
0xf: {  	s16 =	smov.u32 @p1 s3;
	p1 =	sgt.s32 s18, $0x3  }
0x10: {  	s18 =	smov.u32 @p1 s6;
	p1 =	sne.s32 s13, s8  }
.Ltmp1:
0x11: {  	p0 =	slt.u32 s13, $0x2;
	(pc) =	sbr.rel @!p1 .LBB1_8-.Ltmp1, $4  }
0x12: {  	s17 =	simm.s32 @!p0 $0x2  }
0x13: {  	s15 =	smov.u32 s12;
	s10 =	sadd.s32 $0x4000, s10;
	_ =	swait.ge @!p0 [sflag:s17], $0x4000  }
0x14: {  	s14 =	smov.u32 s11;
	[sflag:s17] =	ssyncset.done @!p0 $0x0;
	s11 =	smov.u32 s16  }
0x15: {  	s13 =	sadd.s32 $0x1, s13;
	[sflag:s17] =	ssyncadd.s32 @!p0 $0xFFFFC000;
	s12 =	smov.u32 s18  }
.LBB1_1:
0x16: {  	p0 =	sge.u32 s13, s7;
	s31 =	sadd.s32 $0xFFFFFFFF, s13  }
0x17: {  	s16 =	sxor.u32 @!p0 $0xFFFFFFFF, s13;
	s17 =	sshll.u32 @!p0 s12, $0x13;
	s18 =	sshll.u32 @!p0 s11, $0x8  }
0x18: {  	s19 =	sshll.u32 @!p0 s11, $0x4;
	s18 =	sand.u32 @!p0 $0x7F800, s18;
	s17 =	sadd.s32 @!p0 s4, s17  }
0x19: {  	s16 =	sshll.u32 @!p0 s16, $0xE;
	s19 =	sand.u32 @!p0 $0x70, s19;
	s17 =	sadd.s32 @!p0 s18, s17  }
0x1a: {  	s16 =	sand.u32 @!p0 $0x4000, s16;
	s18 =	simm.s32 @!p0 $0x0;
	s17 =	sadd.s32 @!p0 s19, s17  }
0x1b: {  	[tilespmem:s16], [sflag:$0x1] =	stream.linear.gather @!p0 [hbm4b:s17+s18], $0x4000, $0x38;
	[tilespmem:$0x10000] =	vst v63  }
0x1c: {  	p0 =	sge.u32 s31, s7  }
.Ltmp2:
0x1d: {  	_ = 	snop;
	(pc) =	sbr.rel @p0 .LBB1_7-.Ltmp2, $1  }
0x1e: {  	_ =	sdelay $0x3  }
0x1f: {  	s17 =	sand.u32 $0x4000, s10  }
0x20: {  	_ =	swait.ge [sflag:s5], $0x4000;
	s19 =	sshll.u32 s13, $0xE;
	s16 =	sor.u32 $0x8100, s17  }
0x21: {  	s18 =	sor.u32 $0x800, s17;
	[sflag:s5] =	ssyncset.done $0x0;
	s31 =	sand.u32 $0x4000, s19  }
0x22: {  	s19 =	simm.s32 $0x0;
	[sflag:s5] =	ssyncadd.s32 $0xFFFFC000;
	s17 =	sor.u32 $0x8000, s31  }
.LBB1_3:
0x23: {  	v0 =	vld [tilespmem:s18+$0x470]  }
0x24: {  	v1 =	vld [tilespmem:s18+$0xFFFFF810]  }
0x25: {  	v2 =	vld [tilespmem:s18+$0xFFFFF820]  }
0x26: {  	v3 =	vld [tilespmem:s18+$0xFFFFF830]  }
0x27: {  	v4 =	vld [tilespmem:s18+$0xFFFFF840]  }
0x28: {  	v5 =	vld [tilespmem:s18+$0xFFFFF850];
	[tilespmem:s16+$0xF0] =	vst v0  }
0x29: {  	[tilespmem:s16+$0xFFFFFF10] =	vst v1;
	v0 =	vld [tilespmem:s18+$0xFFFFF860]  }
0x2a: {  	[tilespmem:s16+$0xFFFFFF20] =	vst v2;
	v1 =	vld [tilespmem:s18+$0xFFFFF870]  }
0x2b: {  	[tilespmem:s16+$0xFFFFFF30] =	vst v3;
	v2 =	vld [tilespmem:s18+$0xFFFFFC00]  }
0x2c: {  	[tilespmem:s16+$0xFFFFFF40] =	vst v4;
	v3 =	vld [tilespmem:s18+$0xFFFFFC10]  }
0x2d: {  	[tilespmem:s16+$0xFFFFFF50] =	vst v5;
	v4 =	vld [tilespmem:s18+$0xFFFFFC20]  }
0x2e: {  	v5 =	vld [tilespmem:s18+$0x420];
	[tilespmem:s16+$0xFFFFFF60] =	vst v0  }
0x2f: {  	v0 =	vld [tilespmem:s18+$0xFFFFFC30];
	[tilespmem:s16+$0xFFFFFF70] =	vst v1  }
0x30: {  	v1 =	vld [tilespmem:s18+$0xFFFFFC40];
	[tilespmem:s16+$0xFFFFFF80] =	vst v2  }
0x31: {  	[tilespmem:s16+$0xFFFFFF90] =	vst v3;
	v3 =	vld [tilespmem:s18+$0xFFFFFC60]  }
0x32: {  	[tilespmem:s16+$0xFFFFFFA0] =	vst v4;
	v4 =	vld [tilespmem:s18+$0xFFFFFC70]  }
0x33: {  	v2 =	vld [tilespmem:s18+$0xFFFFFC50];
	[tilespmem:s16+$0xA0] =	vst v5  }
0x34: {  	[tilespmem:s16+$0xFFFFFFB0] =	vst v0;
	v0 =	vld [tilespmem:s18+$0x0]  }
0x35: {  	[tilespmem:s16+$0xFFFFFFC0] =	vst v1;
	v1 =	vld [tilespmem:s18+$0x10]  }
0x36: {  	[tilespmem:s16+$0xFFFFFFE0] =	vst v3;
	v3 =	vld [tilespmem:s18+$0x30]  }
0x37: {  	[tilespmem:s16+$0xFFFFFFF0] =	vst v4;
	v4 =	vld [tilespmem:s18+$0x40]  }
0x38: {  	[tilespmem:s16+$0xFFFFFFD0] =	vst v2;
	v2 =	vld [tilespmem:s18+$0x20]  }
0x39: {  	[tilespmem:s16+$0x0] =	vst v0;
	v0 =	vld [tilespmem:s18+$0x50]  }
0x3a: {  	[tilespmem:s16+$0x10] =	vst v1;
	v1 =	vld [tilespmem:s18+$0x60]  }
0x3b: {  	[tilespmem:s16+$0x30] =	vst v3;
	v3 =	vld [tilespmem:s18+$0x400]  }
0x3c: {  	[tilespmem:s16+$0x40] =	vst v4;
	v4 =	vld [tilespmem:s18+$0x410]  }
0x3d: {  	[tilespmem:s16+$0x20] =	vst v2;
	v2 =	vld [tilespmem:s18+$0x70]  }
0x3e: {  	[tilespmem:s16+$0x50] =	vst v0;
	v0 =	vld [tilespmem:s18+$0x430]  }
0x3f: {  	[tilespmem:s16+$0x60] =	vst v1;
	v1 =	vld [tilespmem:s18+$0x440]  }
0x40: {  	[tilespmem:s16+$0x80] =	vst v3;
	v3 =	vld [tilespmem:s18+$0x450]  }
0x41: {  	[tilespmem:s16+$0x90] =	vst v4;
	v4 =	vld [tilespmem:s18+$0x460]  }
0x42: {  	s21 =	simm.s32 $0x0;
	s22 =	sadd.s32 $0x1000, s18;
	s20 =	smov.u32 s16;
	[tilespmem:s16+$0x70] =	vst v2;
	v2 =	vld [tilespmem:s18+$0xFFFFF800]  }
.LBB1_4:
0x43: {  	v5 =	vld [tilespmem:s22+$0x470];
	s21 =	sadd.s32 $0x200, s21;
	[tilespmem:s20+$0xB0] =	vst v0  }
0x44: {  	v0 =	vld [tilespmem:s22+$0xFFFFF810];
	p0 =	slt.u32 s21, $0x600;
	[tilespmem:s20+$0xC0] =	vst v1  }
0x45: {  	v1 =	vld [tilespmem:s22+$0xFFFFF820];
	[tilespmem:s20+$0xD0] =	vst v3  }
0x46: {  	v3 =	vld [tilespmem:s22+$0xFFFFF830];
	[tilespmem:s20+$0xE0] =	vst v4  }
0x47: {  	v4 =	vld [tilespmem:s22+$0xFFFFF840];
	[tilespmem:s20+$0xFFFFFF00] =	vst v2;
	s20 =	sadd.s32 $0x200, s20  }
0x48: {  	v2 =	vld [tilespmem:s22+$0xFFFFF850];
	[tilespmem:s20+$0xF0] =	vst v5  }
0x49: {  	[tilespmem:s20+$0xFFFFFF10] =	vst v0;
	v0 =	vld [tilespmem:s22+$0xFFFFF860]  }
0x4a: {  	[tilespmem:s20+$0xFFFFFF20] =	vst v1;
	v1 =	vld [tilespmem:s22+$0xFFFFF870]  }
0x4b: {  	[tilespmem:s20+$0xFFFFFF30] =	vst v3;
	v3 =	vld [tilespmem:s22+$0xFFFFFC00]  }
0x4c: {  	[tilespmem:s20+$0xFFFFFF40] =	vst v4;
	v4 =	vld [tilespmem:s22+$0xFFFFFC10]  }
0x4d: {  	[tilespmem:s20+$0xFFFFFF50] =	vst v2;
	v2 =	vld [tilespmem:s22+$0xFFFFFC20]  }
0x4e: {  	[tilespmem:s20+$0xFFFFFF60] =	vst v0;
	v0 =	vld [tilespmem:s22+$0xFFFFFC30]  }
0x4f: {  	[tilespmem:s20+$0xFFFFFF70] =	vst v1;
	v1 =	vld [tilespmem:s22+$0xFFFFFC40]  }
0x50: {  	[tilespmem:s20+$0xFFFFFF80] =	vst v3;
	v3 =	vld [tilespmem:s22+$0xFFFFFC50]  }
0x51: {  	[tilespmem:s20+$0xFFFFFF90] =	vst v4;
	v4 =	vld [tilespmem:s22+$0xFFFFFC60]  }
0x52: {  	[tilespmem:s20+$0xFFFFFFA0] =	vst v2;
	v2 =	vld [tilespmem:s22+$0xFFFFFC70]  }
0x53: {  	[tilespmem:s20+$0xFFFFFFB0] =	vst v0;
	v0 =	vld [tilespmem:s22+$0x0]  }
0x54: {  	[tilespmem:s20+$0xFFFFFFC0] =	vst v1;
	v1 =	vld [tilespmem:s22+$0x10]  }
0x55: {  	[tilespmem:s20+$0xFFFFFFD0] =	vst v3;
	v3 =	vld [tilespmem:s22+$0x20]  }
0x56: {  	[tilespmem:s20+$0xFFFFFFE0] =	vst v4;
	v4 =	vld [tilespmem:s22+$0x30]  }
0x57: {  	[tilespmem:s20+$0xFFFFFFF0] =	vst v2;
	v2 =	vld [tilespmem:s22+$0x40]  }
0x58: {  	[tilespmem:s20+$0x0] =	vst v0;
	v0 =	vld [tilespmem:s22+$0x50]  }
0x59: {  	[tilespmem:s20+$0x10] =	vst v1;
	v1 =	vld [tilespmem:s22+$0x60]  }
0x5a: {  	[tilespmem:s20+$0x20] =	vst v3;
	v3 =	vld [tilespmem:s22+$0x70]  }
0x5b: {  	[tilespmem:s20+$0x30] =	vst v4;
	v4 =	vld [tilespmem:s22+$0x400]  }
0x5c: {  	[tilespmem:s20+$0x40] =	vst v2;
	v2 =	vld [tilespmem:s22+$0x410]  }
0x5d: {  	[tilespmem:s20+$0x50] =	vst v0;
	v5 =	vld [tilespmem:s22+$0x420]  }
.Ltmp3:
0x5e: {  	[tilespmem:s20+$0x60] =	vst v1;
	v0 =	vld [tilespmem:s22+$0x430];
	(pc) =	sbr.rel @p0 .LBB1_4-.Ltmp3, $4  }
0x5f: {  	[tilespmem:s20+$0x70] =	vst v3;
	v1 =	vld [tilespmem:s22+$0x440]  }
0x60: {  	[tilespmem:s20+$0x80] =	vst v4;
	v3 =	vld [tilespmem:s22+$0x450]  }
0x61: {  	[tilespmem:s20+$0x90] =	vst v2;
	v4 =	vld [tilespmem:s22+$0x460]  }
0x62: {  	v2 =	vld [tilespmem:s22+$0xFFFFF800];
	[tilespmem:s20+$0xA0] =	vst v5;
	s22 =	sadd.s32 $0x1000, s22  }
0x63: {  	s19 =	sadd.s32 $0x1, s19  }
0x64: {  	p0 =	sne.s32 s19, $0x8  }
.Ltmp4:
0x65: {  	[tilespmem:s20+$0xB0] =	vst v0;
	(pc) =	sbr.rel @p0 .LBB1_3-.Ltmp4, $4  }
0x66: {  	[tilespmem:s20+$0xC0] =	vst v1  }
0x67: {  	[tilespmem:s20+$0xD0] =	vst v3  }
0x68: {  	[tilespmem:s20+$0xE0] =	vst v4  }
0x69: {  	s16 =	sadd.s32 $0x800, s16;
	s18 =	sadd.s32 $0x80, s18;
	[tilespmem:s20+$0xFFFFFF00] =	vst v2  }
.Ltmp5:
0x6a: {  	(pc) =	sbr.rel .LBB1_7-.Ltmp5, $4  }
0x6b: {  	s15 =	sshll.u32 s15, $0x13  }
0x6c: {  	s14 =	sshll.u32 s14, $0x8;
	s15 =	sadd.s32 s2, s15  }
0x6d: {  	s14 =	sadd.s32 s14, s15  }
0x6e: {  	[hbm4b:s14+s9] =	stream.linear.scatter [tilespmem:s17], [sflag:$0x2], $0x4000, $0x38;
	[tilespmem:$0x10000] =	vst v63  }
.LBB1_8:
0x6f: {  	_ =	sfence.sel $0x180000  }
0x70: {  	s2 =	simm.s32 $0x1;
	[bflag:$0x0] =	sbarrier.arrive $0xFFFF  }
0x71: {  	s31 =	simm.s32 $0x2;
	[sflag:s2] =	ssyncpa.u1 $0x1  }
0x72: {  	[sflag:s31] =	ssyncpa.u1 $0x1  }
0x73: {  	p0 =	sne.s32 s0, $0x0;
	_ =	strace $0x90000047  }
0x74: {  	s0 =	sadd.s32 @!p0 $0x100000, s1;
	[bflag:$0x2] =	sbarrier.arrive $0xFFFF  }
0x75: {  	[sflag:s0] =	ssyncadd.tile.s32 @!p0 $0x1;
	_ =	shalt  }
.Lfunc_end1:
_tile_overlayer_lowered:
.L_overlay_start_2:
0x76: {  	(tag) =	ssettag $0x2  }
0x77: {  	s0 =	rddreg [dreg:$0x0];
	s2 =	stileid.u32  }
0x78: {  	s1 =	rddreg [dreg:$0x1];
	p0 =	sne.s32 s2, $0x0  }
0x79: {  	s3 =	rddreg [dreg:$0x2];
	[bflag:$0x3] =	sbarrier.arrive $0xFFFF;
	s2 =	simm.s32 @!p0 $0x1C01  }
0x7a: {  	[timem:s3], [sflag:s2] =	dma.local @!p0 [hbm:s0], s1  }
0x7b: {  	s0 =	simm.s32 @!p0 $0x1  }
0x7c: {  	_ =	swait.ge @!p0 [sflag:s0], s1  }
0x7d: {  	s1 =	ssub.s32 @!p0 $0x0, s1;
	[sflag:s0] =	ssyncset.done @!p0 $0x0  }
0x7e: {  	[sflag:s0] =	ssyncadd.s32 @!p0 s1  }
0x7f: {  	[bflag:$0x3] =	sbarrier.arrive $0xFFFF  }
0x80: {  	_ =	shalt  }

</sc_bundles>
